<compile_context>
chip_gen: v7x
topology: tpu7x:2x2x1
jax: 0.10.2.dev20260603
libtpu: 0.0.44.dev20260713+nightly
codegen_flags: <defaults>
</compile_context>

<pallas_src>
import dataclasses

import jax
import jax.numpy as jnp
from jax import lax
from jax.experimental import pallas as pl
from jax.experimental.pallas import tpu as pltpu
from jax.experimental.pallas import tpu_sc as plsc

DIMENSIONS = 10000
NUM_LEVELS = 21
N_GRAM_SIZE = 4
WINDOW = 256
NUM_CLASSES = 5
BATCH = 256
STRIDE = WINDOW // 5
N_SAMPLES = (WINDOW + STRIDE - 1) // STRIDE
N_ROWS = 4 * N_SAMPLES
LANES = 16
ROW_PAD = 24


def _sc_hist_body(x_hbm, part_hbm, xrow_v, part_v):
    w = lax.axis_index("s") * 2 + lax.axis_index("c")

    @pl.when(w < N_ROWS)
    def _():
        pltpu.sync_copy(x_hbm.at[w], xrow_v)
        zeros16 = jnp.zeros((LANES,), jnp.float32)
        for l in range(LANES):
            part_v[l, pl.ds(0, LANES)] = zeros16
            part_v[l, pl.ds(ROW_PAD - LANES, LANES)] = zeros16
        lane = lax.iota(jnp.int32, LANES)
        ones = jnp.ones((LANES,), jnp.float32)
        for k in range(BATCH // LANES):
            v = xrow_v[pl.ds(k * LANES, LANES)]
            plsc.addupdate_scatter(part_v, [lane, v], ones)
        pltpu.sync_copy(part_v, part_hbm.at[w])


def _roll1(a):
    return jnp.concatenate([a[:, DIMENSIONS - 1:], a[:, :DIMENSIONS - 1]], axis=1)


def _tc_body(part, iM1, iM2, iM3, iM4, CiM1, CiM2, CiM3, CiM4, W, out_ref):
    iM_refs = (iM1, iM2, iM3, iM4)
    CiM_refs = (CiM1, CiM2, CiM3, CiM4)

    counts24 = jnp.sum(part[...], axis=1)
    shv = None
    for c in range(4):
        T_c = iM_refs[c][:NUM_LEVELS, :] * CiM_refs[c][...]
        counts_c = counts24[c * N_SAMPLES:(c + 1) * N_SAMPLES, :NUM_LEVELS]
        part_mm = jax.lax.dot_general(
            counts_c, T_c, (((1,), (0,)), ((), ())),
            preferred_element_type=jnp.float32)
        shv = part_mm if shv is None else shv + part_mm

    rows = [shv[i:i + 1, :] for i in range(N_SAMPLES)]
    A = jnp.zeros_like(rows[0])
    for i in range(N_SAMPLES - N_GRAM_SIZE + 1):
        g = rows[i] + A
        for n in range(1, N_GRAM_SIZE):
            g = _roll1(g) * (rows[i + n] + A)
        A = A + g
    total = rows[0]
    for i in range(1, N_SAMPLES):
        total = total + rows[i]
    total = total + float(N_SAMPLES) * A

    enc = jnp.where(total > 0, 1.0, -1.0)
    out_ref[...] = jax.lax.dot_general(
        enc, W[...], (((1,), (1,)), ((), ())),
        preferred_element_type=jnp.float32)


@jax.jit
def _run(x, iM1, iM2, iM3, iM4, CiM1, CiM2, CiM3, CiM4, W):
    xs = x[:, ::STRIDE, :]
    xs24 = jnp.transpose(xs, (2, 1, 0)).reshape(N_ROWS, BATCH)

    cp = pltpu.CompilerParams()
    if "needs_layout_passes" in pltpu.CompilerParams.__dataclass_fields__:
        cp = dataclasses.replace(cp, needs_layout_passes=False)
    hist = pl.kernel(
        _sc_hist_body,
        compiler_params=cp,
        out_type=jax.ShapeDtypeStruct((N_ROWS, LANES, ROW_PAD), jnp.float32),
        mesh=plsc.VectorSubcoreMesh(core_axis_name="c", subcore_axis_name="s"),
        scratch_types=[
            pltpu.VMEM((BATCH,), jnp.int32),
            pltpu.VMEM((LANES, ROW_PAD), jnp.float32),
        ],
    )
    part = hist(xs24)

    full = lambda a: pl.BlockSpec(a.shape, lambda i: (0,) * a.ndim)
    iM_spec = pl.BlockSpec((ROW_PAD, DIMENSIONS), lambda i: (0, 0))
    out = pl.pallas_call(
        _tc_body,
        grid=(1,),
        out_shape=jax.ShapeDtypeStruct((1, NUM_CLASSES), jnp.float32),
        in_specs=[full(part), iM_spec, iM_spec, iM_spec, iM_spec,
                  full(CiM1), full(CiM2), full(CiM3), full(CiM4), full(W)],
        out_specs=pl.BlockSpec((1, NUM_CLASSES), lambda i: (0, 0)),
    )(part, iM1, iM2, iM3, iM4, CiM1, CiM2, CiM3, CiM4, W)
    return out.reshape(NUM_CLASSES)


def kernel(x, iM1, iM2, iM3, iM4, CiM1, CiM2, CiM3, CiM4, W):
    return _run(x, iM1, iM2, iM3, iM4, CiM1, CiM2, CiM3, CiM4, W)

# --- scband reference (transcript-rebuilt; emitter-appended) ---
"""Pipeline reference for scband-model-687194768042 (READ-ONLY COPY).

The authoritative reference and input builder live on the scoring server;
editing this copy changes nothing except your own understanding.
"""

import jax, jax.numpy as jnp
import numpy as np

DIMENSIONS = 10000
DOWNSAMPLE = 5
NUM_LEVELS = 21
N_GRAM_SIZE = 4
WINDOW = 256
NUM_CLASSES = 5
BATCH = 256


def _bipolar(key, shape):
    return jnp.where(jax.random.bernoulli(key, 0.5, shape), 1.0, -1.0).astype(jnp.float32)


def setup_inputs(seed: int = 0) -> dict:
    key = jax.random.key(seed)
    ks = jax.random.split(key, 10)
    x = jax.random.randint(ks[0], (BATCH, WINDOW, 4), 0, 21, dtype=jnp.int32)
    inp = {"x": x}
    # Random (bipolar) item-memory tables, one per channel: [WINDOW, DIMENSIONS]
    for c in range(4):
        inp[f"iM{c+1}"] = _bipolar(ks[1 + c], (WINDOW, DIMENSIONS))
    # Level embedding tables: [NUM_LEVELS, DIMENSIONS] (bipolar)
    for c in range(4):
        inp[f"CiM{c+1}"] = _bipolar(ks[5 + c], (NUM_LEVELS, DIMENSIONS))
    # classify weight initialized to zeros, matching self.classify.weight.data.fill_(0.0)
    inp["W"] = jnp.zeros((NUM_CLASSES, DIMENSIONS), dtype=jnp.float32)
    return inp


def _level_lookup(table, v):
    # torchhd Level: value_to_index with low=0, high=20, num_levels=21
    idx = jnp.round(v.astype(jnp.float32) * (NUM_LEVELS - 1) / 20.0)
    idx = jnp.clip(idx, 0, NUM_LEVELS - 1).astype(jnp.int32)
    return jnp.take(table, idx, axis=0)


def _encode(x, iMs, CiMs):
    samples = np.arange(0, WINDOW, int(WINDOW / DOWNSAMPLE))  # [0,51,102,153,204]
    xs = x[:, samples, :]  # [B, 5, 4]
    chans = []
    for c in range(4):
        v = xs[:, :, c]
        hv = jnp.take(iMs[c], v, axis=0) * _level_lookup(CiMs[c], v)  # bind = multiply
        chans.append(hv)
    sample_hv = jnp.stack(chans)  # [4, B, 5, D]
    sample_hv = jnp.sum(sample_hv, axis=(0, 1))  # batch_bundle over dims (0,1) -> [5, D]
    n_samples = len(samples)
    for i in range(n_samples - N_GRAM_SIZE + 1):
        n_gram_hv = jnp.ones((1, DIMENSIONS), dtype=jnp.float32)  # identity_hv
        for n in range(N_GRAM_SIZE):
            n_gram_hv = jnp.roll(n_gram_hv, 1, axis=-1)  # permute
            n_gram_hv = n_gram_hv * sample_hv[i + n]  # bind
        sample_hv = sample_hv + n_gram_hv  # bundle (broadcast [5,D] + [1,D])
    sample_hv = jnp.sum(sample_hv, axis=0)  # batch_bundle -> [D]
    return jnp.where(sample_hv > 0, 1.0, -1.0)  # hard_quantize


def reference(x, iM1, iM2, iM3, iM4, CiM1, CiM2, CiM3, CiM4, W):
    enc = _encode(x, (iM1, iM2, iM3, iM4), (CiM1, CiM2, CiM3, CiM4))
    logit = enc @ W.T  # Linear, no bias -> [num_classes]
    return logit

if __name__ == "__main__":
    import jax
    _d = setup_inputs()
    print(jax.jit(kernel)(*tuple(_d.values())))

</pallas_src>

<mosaic_0001>
#map = affine_map<(d0, d1) -> (0, 0)>
#map1 = affine_map<(d0, d1) -> (0, 0, 0)>
module attributes {stable_mosaic.version = 14 : i64} {
  func.func @_sc_hist_body(%arg0: i32, %arg1: i32, %arg2: memref<24x256xi32, #tpu.memory_space<hbm>>, %arg3: memref<24x16x24xf32, #tpu.memory_space<hbm>>, %arg4: memref<256xi32, #tpu.memory_space<vmem>>, %arg5: memref<16x24xf32, #tpu.memory_space<vmem>>) attributes {dimension_semantics = [#tpu.dimension_semantics<core_parallel>, #tpu.dimension_semantics<subcore_parallel>], iteration_bounds = array<i64: 2, 16>, scalar_prefetch = 0 : i64, scratch_operands = 2 : i64, tpu.core_type = #tpu.core_type<sc_vector_subcore>, window_params = [{transform_indices = #map}, {transform_indices = #map1}]} {
    %mul3A = arith.constant 2 : i32
    %mul3A_0 = arith.muli %arg1, %mul3A : i32
    %add3A = arith.addi %mul3A_0, %arg0 : i32
    %lt3A = arith.constant 24 : i32
    %lt3A_1 = arith.cmpi slt, %add3A, %lt3A : i32
    %convert_element_type3A = arith.extui %lt3A_1 : i1 to i32
    %cond3A = arith.constant 0 : i32
    %cond3A_2 = arith.cmpi ne, %convert_element_type3A, %cond3A : i32
    scf.if %cond3A_2 {
      "tpu.region"() ({
        %run_scoped3A = tpu.sem_alloc : memref<!tpu.dma_semaphore, #tpu.memory_space<semaphore_mem>>
        %dma_start3A = arith.constant 0 : i32
        %dma_start3A_164 = tpu.memref_slice %arg2[%add3A, %dma_start3A] : memref<24x256xi32, #tpu.memory_space<hbm>> -> memref<1x256xi32, #tpu.memory_space<hbm>>
        %dma_start3A_165 = tpu.memref_squeeze %dma_start3A_164 : memref<1x256xi32, #tpu.memory_space<hbm>> -> memref<256xi32, #tpu.memory_space<hbm>>
        %dma_start3A_166 = arith.constant 0 : i32
        %dma_start3A_167 = tpu.memref_slice %arg2[%add3A, %dma_start3A_166] : memref<24x256xi32, #tpu.memory_space<hbm>> -> memref<1x256xi32, #tpu.memory_space<hbm>>
        %dma_start3A_168 = tpu.memref_squeeze %dma_start3A_167 : memref<1x256xi32, #tpu.memory_space<hbm>> -> memref<256xi32, #tpu.memory_space<hbm>>
        tpu.enqueue_dma source(%dma_start3A_168 : memref<256xi32, #tpu.memory_space<hbm>>) target(%arg4 : memref<256xi32, #tpu.memory_space<vmem>>) target_semaphore(%run_scoped3A : memref<!tpu.dma_semaphore, #tpu.memory_space<semaphore_mem>>)
        %dma_wait3A = arith.constant 0 : i32
        %dma_wait3A_169 = tpu.memref_slice %arg2[%add3A, %dma_wait3A] : memref<24x256xi32, #tpu.memory_space<hbm>> -> memref<1x256xi32, #tpu.memory_space<hbm>>
        %dma_wait3A_170 = tpu.memref_squeeze %dma_wait3A_169 : memref<1x256xi32, #tpu.memory_space<hbm>> -> memref<256xi32, #tpu.memory_space<hbm>>
        %dma_wait3A_171 = arith.constant 0 : i32
        %dma_wait3A_172 = tpu.memref_slice %arg2[%add3A, %dma_wait3A_171] : memref<24x256xi32, #tpu.memory_space<hbm>> -> memref<1x256xi32, #tpu.memory_space<hbm>>
        %dma_wait3A_173 = tpu.memref_squeeze %dma_wait3A_172 : memref<1x256xi32, #tpu.memory_space<hbm>> -> memref<256xi32, #tpu.memory_space<hbm>>
        tpu.wait_dma2 semaphore(%run_scoped3A : memref<!tpu.dma_semaphore, #tpu.memory_space<semaphore_mem>>) src(%dma_wait3A_173 : memref<256xi32, #tpu.memory_space<hbm>>) dst(%arg4 : memref<256xi32, #tpu.memory_space<vmem>>)
        tpu.yield
      }) : () -> ()
      %broadcast_in_dim3A = arith.constant 0.000000e+00 : f32
      %broadcast_in_dim3A_3 = vector.broadcast %broadcast_in_dim3A : f32 to vector<16xf32>
      %swap3A = arith.constant 0 : i32
      %swap3A_4 = arith.index_cast %swap3A : i32 to index
      %swap3A_5 = arith.constant 0 : index
      %swap3A_6 = tpu.vector_load %arg5[%swap3A_4, %swap3A_5] {strides = array<i32>} : memref<16x24xf32, #tpu.memory_space<vmem>>, vector<16xf32>,
      tpu.vector_store %arg5[%swap3A_4, %swap3A_5], %broadcast_in_dim3A_3 {strides = array<i32>} : memref<16x24xf32, #tpu.memory_space<vmem>>, vector<16xf32>,
      %swap3A_7 = arith.constant 0 : i32
      %swap3A_8 = arith.index_cast %swap3A_7 : i32 to index
      %swap3A_9 = arith.constant 8 : index
      %swap3A_10 = tpu.vector_load %arg5[%swap3A_8, %swap3A_9] {strides = array<i32>} : memref<16x24xf32, #tpu.memory_space<vmem>>, vector<16xf32>,
      tpu.vector_store %arg5[%swap3A_8, %swap3A_9], %broadcast_in_dim3A_3 {strides = array<i32>} : memref<16x24xf32, #tpu.memory_space<vmem>>, vector<16xf32>,
      %swap3A_11 = arith.constant 1 : i32
      %swap3A_12 = arith.index_cast %swap3A_11 : i32 to index
      %swap3A_13 = arith.constant 0 : index
      %swap3A_14 = tpu.vector_load %arg5[%swap3A_12, %swap3A_13] {strides = array<i32>} : memref<16x24xf32, #tpu.memory_space<vmem>>, vector<16xf32>,
      tpu.vector_store %arg5[%swap3A_12, %swap3A_13], %broadcast_in_dim3A_3 {strides = array<i32>} : memref<16x24xf32, #tpu.memory_space<vmem>>, vector<16xf32>,
      %swap3A_15 = arith.constant 1 : i32
      %swap3A_16 = arith.index_cast %swap3A_15 : i32 to index
      %swap3A_17 = arith.constant 8 : index
      %swap3A_18 = tpu.vector_load %arg5[%swap3A_16, %swap3A_17] {strides = array<i32>} : memref<16x24xf32, #tpu.memory_space<vmem>>, vector<16xf32>,
      tpu.vector_store %arg5[%swap3A_16, %swap3A_17], %broadcast_in_dim3A_3 {strides = array<i32>} : memref<16x24xf32, #tpu.memory_space<vmem>>, vector<16xf32>,
      %swap3A_19 = arith.constant 2 : i32
      %swap3A_20 = arith.index_cast %swap3A_19 : i32 to index
      %swap3A_21 = arith.constant 0 : index
      %swap3A_22 = tpu.vector_load %arg5[%swap3A_20, %swap3A_21] {strides = array<i32>} : memref<16x24xf32, #tpu.memory_space<vmem>>, vector<16xf32>,
      tpu.vector_store %arg5[%swap3A_20, %swap3A_21], %broadcast_in_dim3A_3 {strides = array<i32>} : memref<16x24xf32, #tpu.memory_space<vmem>>, vector<16xf32>,
      %swap3A_23 = arith.constant 2 : i32
      %swap3A_24 = arith.index_cast %swap3A_23 : i32 to index
      %swap3A_25 = arith.constant 8 : index
      %swap3A_26 = tpu.vector_load %arg5[%swap3A_24, %swap3A_25] {strides = array<i32>} : memref<16x24xf32, #tpu.memory_space<vmem>>, vector<16xf32>,
      tpu.vector_store %arg5[%swap3A_24, %swap3A_25], %broadcast_in_dim3A_3 {strides = array<i32>} : memref<16x24xf32, #tpu.memory_space<vmem>>, vector<16xf32>,
      %swap3A_27 = arith.constant 3 : i32
      %swap3A_28 = arith.index_cast %swap3A_27 : i32 to index
      %swap3A_29 = arith.constant 0 : index
      %swap3A_30 = tpu.vector_load %arg5[%swap3A_28, %swap3A_29] {strides = array<i32>} : memref<16x24xf32, #tpu.memory_space<vmem>>, vector<16xf32>,
      tpu.vector_store %arg5[%swap3A_28, %swap3A_29], %broadcast_in_dim3A_3 {strides = array<i32>} : memref<16x24xf32, #tpu.memory_space<vmem>>, vector<16xf32>,
      %swap3A_31 = arith.constant 3 : i32
      %swap3A_32 = arith.index_cast %swap3A_31 : i32 to index
      %swap3A_33 = arith.constant 8 : index
      %swap3A_34 = tpu.vector_load %arg5[%swap3A_32, %swap3A_33] {strides = array<i32>} : memref<16x24xf32, #tpu.memory_space<vmem>>, vector<16xf32>,
      tpu.vector_store %arg5[%swap3A_32, %swap3A_33], %broadcast_in_dim3A_3 {strides = array<i32>} : memref<16x24xf32, #tpu.memory_space<vmem>>, vector<16xf32>,
      %swap3A_35 = arith.constant 4 : i32
      %swap3A_36 = arith.index_cast %swap3A_35 : i32 to index
      %swap3A_37 = arith.constant 0 : index
      %swap3A_38 = tpu.vector_load %arg5[%swap3A_36, %swap3A_37] {strides = array<i32>} : memref<16x24xf32, #tpu.memory_space<vmem>>, vector<16xf32>,
      tpu.vector_store %arg5[%swap3A_36, %swap3A_37], %broadcast_in_dim3A_3 {strides = array<i32>} : memref<16x24xf32, #tpu.memory_space<vmem>>, vector<16xf32>,
      %swap3A_39 = arith.constant 4 : i32
      %swap3A_40 = arith.index_cast %swap3A_39 : i32 to index
      %swap3A_41 = arith.constant 8 : index
      %swap3A_42 = tpu.vector_load %arg5[%swap3A_40, %swap3A_41] {strides = array<i32>} : memref<16x24xf32, #tpu.memory_space<vmem>>, vector<16xf32>,
      tpu.vector_store %arg5[%swap3A_40, %swap3A_41], %broadcast_in_dim3A_3 {strides = array<i32>} : memref<16x24xf32, #tpu.memory_space<vmem>>, vector<16xf32>,
      %swap3A_43 = arith.constant 5 : i32
      %swap3A_44 = arith.index_cast %swap3A_43 : i32 to index
      %swap3A_45 = arith.constant 0 : index
      %swap3A_46 = tpu.vector_load %arg5[%swap3A_44, %swap3A_45] {strides = array<i32>} : memref<16x24xf32, #tpu.memory_space<vmem>>, vector<16xf32>,
      tpu.vector_store %arg5[%swap3A_44, %swap3A_45], %broadcast_in_dim3A_3 {strides = array<i32>} : memref<16x24xf32, #tpu.memory_space<vmem>>, vector<16xf32>,
      %swap3A_47 = arith.constant 5 : i32
      %swap3A_48 = arith.index_cast %swap3A_47 : i32 to index
      %swap3A_49 = arith.constant 8 : index
      %swap3A_50 = tpu.vector_load %arg5[%swap3A_48, %swap3A_49] {strides = array<i32>} : memref<16x24xf32, #tpu.memory_space<vmem>>, vector<16xf32>,
      tpu.vector_store %arg5[%swap3A_48, %swap3A_49], %broadcast_in_dim3A_3 {strides = array<i32>} : memref<16x24xf32, #tpu.memory_space<vmem>>, vector<16xf32>,
      %swap3A_51 = arith.constant 6 : i32
      %swap3A_52 = arith.index_cast %swap3A_51 : i32 to index
      %swap3A_53 = arith.constant 0 : index
      %swap3A_54 = tpu.vector_load %arg5[%swap3A_52, %swap3A_53] {strides = array<i32>} : memref<16x24xf32, #tpu.memory_space<vmem>>, vector<16xf32>,
      tpu.vector_store %arg5[%swap3A_52, %swap3A_53], %broadcast_in_dim3A_3 {strides = array<i32>} : memref<16x24xf32, #tpu.memory_space<vmem>>, vector<16xf32>,
      %swap3A_55 = arith.constant 6 : i32
      %swap3A_56 = arith.index_cast %swap3A_55 : i32 to index
      %swap3A_57 = arith.constant 8 : index
      %swap3A_58 = tpu.vector_load %arg5[%swap3A_56, %swap3A_57] {strides = array<i32>} : memref<16x24xf32, #tpu.memory_space<vmem>>, vector<16xf32>,
      tpu.vector_store %arg5[%swap3A_56, %swap3A_57], %broadcast_in_dim3A_3 {strides = array<i32>} : memref<16x24xf32, #tpu.memory_space<vmem>>, vector<16xf32>,
      %swap3A_59 = arith.constant 7 : i32
      %swap3A_60 = arith.index_cast %swap3A_59 : i32 to index
      %swap3A_61 = arith.constant 0 : index
      %swap3A_62 = tpu.vector_load %arg5[%swap3A_60, %swap3A_61] {strides = array<i32>} : memref<16x24xf32, #tpu.memory_space<vmem>>, vector<16xf32>,
      tpu.vector_store %arg5[%swap3A_60, %swap3A_61], %broadcast_in_dim3A_3 {strides = array<i32>} : memref<16x24xf32, #tpu.memory_space<vmem>>, vector<16xf32>,
      %swap3A_63 = arith.constant 7 : i32
      %swap3A_64 = arith.index_cast %swap3A_63 : i32 to index
      %swap3A_65 = arith.constant 8 : index
      %swap3A_66 = tpu.vector_load %arg5[%swap3A_64, %swap3A_65] {strides = array<i32>} : memref<16x24xf32, #tpu.memory_space<vmem>>, vector<16xf32>,
      tpu.vector_store %arg5[%swap3A_64, %swap3A_65], %broadcast_in_dim3A_3 {strides = array<i32>} : memref<16x24xf32, #tpu.memory_space<vmem>>, vector<16xf32>,
      %swap3A_67 = arith.constant 8 : i32
      %swap3A_68 = arith.index_cast %swap3A_67 : i32 to index
      %swap3A_69 = arith.constant 0 : index
      %swap3A_70 = tpu.vector_load %arg5[%swap3A_68, %swap3A_69] {strides = array<i32>} : memref<16x24xf32, #tpu.memory_space<vmem>>, vector<16xf32>,
      tpu.vector_store %arg5[%swap3A_68, %swap3A_69], %broadcast_in_dim3A_3 {strides = array<i32>} : memref<16x24xf32, #tpu.memory_space<vmem>>, vector<16xf32>,
      %swap3A_71 = arith.constant 8 : i32
      %swap3A_72 = arith.index_cast %swap3A_71 : i32 to index
      %swap3A_73 = arith.constant 8 : index
      %swap3A_74 = tpu.vector_load %arg5[%swap3A_72, %swap3A_73] {strides = array<i32>} : memref<16x24xf32, #tpu.memory_space<vmem>>, vector<16xf32>,
      tpu.vector_store %arg5[%swap3A_72, %swap3A_73], %broadcast_in_dim3A_3 {strides = array<i32>} : memref<16x24xf32, #tpu.memory_space<vmem>>, vector<16xf32>,
      %swap3A_75 = arith.constant 9 : i32
      %swap3A_76 = arith.index_cast %swap3A_75 : i32 to index
      %swap3A_77 = arith.constant 0 : index
      %swap3A_78 = tpu.vector_load %arg5[%swap3A_76, %swap3A_77] {strides = array<i32>} : memref<16x24xf32, #tpu.memory_space<vmem>>, vector<16xf32>,
      tpu.vector_store %arg5[%swap3A_76, %swap3A_77], %broadcast_in_dim3A_3 {strides = array<i32>} : memref<16x24xf32, #tpu.memory_space<vmem>>, vector<16xf32>,
      %swap3A_79 = arith.constant 9 : i32
      %swap3A_80 = arith.index_cast %swap3A_79 : i32 to index
      %swap3A_81 = arith.constant 8 : index
      %swap3A_82 = tpu.vector_load %arg5[%swap3A_80, %swap3A_81] {strides = array<i32>} : memref<16x24xf32, #tpu.memory_space<vmem>>, vector<16xf32>,
      tpu.vector_store %arg5[%swap3A_80, %swap3A_81], %broadcast_in_dim3A_3 {strides = array<i32>} : memref<16x24xf32, #tpu.memory_space<vmem>>, vector<16xf32>,
      %swap3A_83 = arith.constant 10 : i32
      %swap3A_84 = arith.index_cast %swap3A_83 : i32 to index
      %swap3A_85 = arith.constant 0 : index
      %swap3A_86 = tpu.vector_load %arg5[%swap3A_84, %swap3A_85] {strides = array<i32>} : memref<16x24xf32, #tpu.memory_space<vmem>>, vector<16xf32>,
      tpu.vector_store %arg5[%swap3A_84, %swap3A_85], %broadcast_in_dim3A_3 {strides = array<i32>} : memref<16x24xf32, #tpu.memory_space<vmem>>, vector<16xf32>,
      %swap3A_87 = arith.constant 10 : i32
      %swap3A_88 = arith.index_cast %swap3A_87 : i32 to index
      %swap3A_89 = arith.constant 8 : index
      %swap3A_90 = tpu.vector_load %arg5[%swap3A_88, %swap3A_89] {strides = array<i32>} : memref<16x24xf32, #tpu.memory_space<vmem>>, vector<16xf32>,
      tpu.vector_store %arg5[%swap3A_88, %swap3A_89], %broadcast_in_dim3A_3 {strides = array<i32>} : memref<16x24xf32, #tpu.memory_space<vmem>>, vector<16xf32>,
      %swap3A_91 = arith.constant 11 : i32
      %swap3A_92 = arith.index_cast %swap3A_91 : i32 to index
      %swap3A_93 = arith.constant 0 : index
      %swap3A_94 = tpu.vector_load %arg5[%swap3A_92, %swap3A_93] {strides = array<i32>} : memref<16x24xf32, #tpu.memory_space<vmem>>, vector<16xf32>,
      tpu.vector_store %arg5[%swap3A_92, %swap3A_93], %broadcast_in_dim3A_3 {strides = array<i32>} : memref<16x24xf32, #tpu.memory_space<vmem>>, vector<16xf32>,
      %swap3A_95 = arith.constant 11 : i32
      %swap3A_96 = arith.index_cast %swap3A_95 : i32 to index
      %swap3A_97 = arith.constant 8 : index
      %swap3A_98 = tpu.vector_load %arg5[%swap3A_96, %swap3A_97] {strides = array<i32>} : memref<16x24xf32, #tpu.memory_space<vmem>>, vector<16xf32>,
      tpu.vector_store %arg5[%swap3A_96, %swap3A_97], %broadcast_in_dim3A_3 {strides = array<i32>} : memref<16x24xf32, #tpu.memory_space<vmem>>, vector<16xf32>,
      %swap3A_99 = arith.constant 12 : i32
      %swap3A_100 = arith.index_cast %swap3A_99 : i32 to index
      %swap3A_101 = arith.constant 0 : index
      %swap3A_102 = tpu.vector_load %arg5[%swap3A_100, %swap3A_101] {strides = array<i32>} : memref<16x24xf32, #tpu.memory_space<vmem>>, vector<16xf32>,
      tpu.vector_store %arg5[%swap3A_100, %swap3A_101], %broadcast_in_dim3A_3 {strides = array<i32>} : memref<16x24xf32, #tpu.memory_space<vmem>>, vector<16xf32>,
      %swap3A_103 = arith.constant 12 : i32
      %swap3A_104 = arith.index_cast %swap3A_103 : i32 to index
      %swap3A_105 = arith.constant 8 : index
      %swap3A_106 = tpu.vector_load %arg5[%swap3A_104, %swap3A_105] {strides = array<i32>} : memref<16x24xf32, #tpu.memory_space<vmem>>, vector<16xf32>,
      tpu.vector_store %arg5[%swap3A_104, %swap3A_105], %broadcast_in_dim3A_3 {strides = array<i32>} : memref<16x24xf32, #tpu.memory_space<vmem>>, vector<16xf32>,
      %swap3A_107 = arith.constant 13 : i32
      %swap3A_108 = arith.index_cast %swap3A_107 : i32 to index
      %swap3A_109 = arith.constant 0 : index
      %swap3A_110 = tpu.vector_load %arg5[%swap3A_108, %swap3A_109] {strides = array<i32>} : memref<16x24xf32, #tpu.memory_space<vmem>>, vector<16xf32>,
      tpu.vector_store %arg5[%swap3A_108, %swap3A_109], %broadcast_in_dim3A_3 {strides = array<i32>} : memref<16x24xf32, #tpu.memory_space<vmem>>, vector<16xf32>,
      %swap3A_111 = arith.constant 13 : i32
      %swap3A_112 = arith.index_cast %swap3A_111 : i32 to index
      %swap3A_113 = arith.constant 8 : index
      %swap3A_114 = tpu.vector_load %arg5[%swap3A_112, %swap3A_113] {strides = array<i32>} : memref<16x24xf32, #tpu.memory_space<vmem>>, vector<16xf32>,
      tpu.vector_store %arg5[%swap3A_112, %swap3A_113], %broadcast_in_dim3A_3 {strides = array<i32>} : memref<16x24xf32, #tpu.memory_space<vmem>>, vector<16xf32>,
      %swap3A_115 = arith.constant 14 : i32
      %swap3A_116 = arith.index_cast %swap3A_115 : i32 to index
      %swap3A_117 = arith.constant 0 : index
      %swap3A_118 = tpu.vector_load %arg5[%swap3A_116, %swap3A_117] {strides = array<i32>} : memref<16x24xf32, #tpu.memory_space<vmem>>, vector<16xf32>,
      tpu.vector_store %arg5[%swap3A_116, %swap3A_117], %broadcast_in_dim3A_3 {strides = array<i32>} : memref<16x24xf32, #tpu.memory_space<vmem>>, vector<16xf32>,
      %swap3A_119 = arith.constant 14 : i32
      %swap3A_120 = arith.index_cast %swap3A_119 : i32 to index
      %swap3A_121 = arith.constant 8 : index
      %swap3A_122 = tpu.vector_load %arg5[%swap3A_120, %swap3A_121] {strides = array<i32>} : memref<16x24xf32, #tpu.memory_space<vmem>>, vector<16xf32>,
      tpu.vector_store %arg5[%swap3A_120, %swap3A_121], %broadcast_in_dim3A_3 {strides = array<i32>} : memref<16x24xf32, #tpu.memory_space<vmem>>, vector<16xf32>,
      %swap3A_123 = arith.constant 15 : i32
      %swap3A_124 = arith.index_cast %swap3A_123 : i32 to index
      %swap3A_125 = arith.constant 0 : index
      %swap3A_126 = tpu.vector_load %arg5[%swap3A_124, %swap3A_125] {strides = array<i32>} : memref<16x24xf32, #tpu.memory_space<vmem>>, vector<16xf32>,
      tpu.vector_store %arg5[%swap3A_124, %swap3A_125], %broadcast_in_dim3A_3 {strides = array<i32>} : memref<16x24xf32, #tpu.memory_space<vmem>>, vector<16xf32>,
      %swap3A_127 = arith.constant 15 : i32
      %swap3A_128 = arith.index_cast %swap3A_127 : i32 to index
      %swap3A_129 = arith.constant 8 : index
      %swap3A_130 = tpu.vector_load %arg5[%swap3A_128, %swap3A_129] {strides = array<i32>} : memref<16x24xf32, #tpu.memory_space<vmem>>, vector<16xf32>,
      tpu.vector_store %arg5[%swap3A_128, %swap3A_129], %broadcast_in_dim3A_3 {strides = array<i32>} : memref<16x24xf32, #tpu.memory_space<vmem>>, vector<16xf32>,
      %iota3A = tpu.iota {dimensions = array<i32: 0>} : vector<16xi32>
      %broadcast_in_dim3A_131 = arith.constant 1.000000e+00 : f32
      %broadcast_in_dim3A_132 = vector.broadcast %broadcast_in_dim3A_131 : f32 to vector<16xf32>
      %get3A = arith.constant 0 : index
      %get3A_133 = tpu.vector_load %arg4[%get3A] {strides = array<i32>} : memref<256xi32, #tpu.memory_space<vmem>>, vector<16xi32>,
      tpu.vector_store_idx %arg5[%iota3A, %get3A_133], %broadcast_in_dim3A_132 {add = true} : memref<16x24xf32, #tpu.memory_space<vmem>>[vector<16xi32>, vector<16xi32>], vector<16xf32>,
      %get3A_134 = arith.constant 16 : index
      %get3A_135 = tpu.vector_load %arg4[%get3A_134] {strides = array<i32>} : memref<256xi32, #tpu.memory_space<vmem>>, vector<16xi32>,
      tpu.vector_store_idx %arg5[%iota3A, %get3A_135], %broadcast_in_dim3A_132 {add = true} : memref<16x24xf32, #tpu.memory_space<vmem>>[vector<16xi32>, vector<16xi32>], vector<16xf32>,
      %get3A_136 = arith.constant 32 : index
      %get3A_137 = tpu.vector_load %arg4[%get3A_136] {strides = array<i32>} : memref<256xi32, #tpu.memory_space<vmem>>, vector<16xi32>,
      tpu.vector_store_idx %arg5[%iota3A, %get3A_137], %broadcast_in_dim3A_132 {add = true} : memref<16x24xf32, #tpu.memory_space<vmem>>[vector<16xi32>, vector<16xi32>], vector<16xf32>,
      %get3A_138 = arith.constant 48 : index
      %get3A_139 = tpu.vector_load %arg4[%get3A_138] {strides = array<i32>} : memref<256xi32, #tpu.memory_space<vmem>>, vector<16xi32>,
      tpu.vector_store_idx %arg5[%iota3A, %get3A_139], %broadcast_in_dim3A_132 {add = true} : memref<16x24xf32, #tpu.memory_space<vmem>>[vector<16xi32>, vector<16xi32>], vector<16xf32>,
      %get3A_140 = arith.constant 64 : index
      %get3A_141 = tpu.vector_load %arg4[%get3A_140] {strides = array<i32>} : memref<256xi32, #tpu.memory_space<vmem>>, vector<16xi32>,
      tpu.vector_store_idx %arg5[%iota3A, %get3A_141], %broadcast_in_dim3A_132 {add = true} : memref<16x24xf32, #tpu.memory_space<vmem>>[vector<16xi32>, vector<16xi32>], vector<16xf32>,
      %get3A_142 = arith.constant 80 : index
      %get3A_143 = tpu.vector_load %arg4[%get3A_142] {strides = array<i32>} : memref<256xi32, #tpu.memory_space<vmem>>, vector<16xi32>,
      tpu.vector_store_idx %arg5[%iota3A, %get3A_143], %broadcast_in_dim3A_132 {add = true} : memref<16x24xf32, #tpu.memory_space<vmem>>[vector<16xi32>, vector<16xi32>], vector<16xf32>,
      %get3A_144 = arith.constant 96 : index
      %get3A_145 = tpu.vector_load %arg4[%get3A_144] {strides = array<i32>} : memref<256xi32, #tpu.memory_space<vmem>>, vector<16xi32>,
      tpu.vector_store_idx %arg5[%iota3A, %get3A_145], %broadcast_in_dim3A_132 {add = true} : memref<16x24xf32, #tpu.memory_space<vmem>>[vector<16xi32>, vector<16xi32>], vector<16xf32>,
      %get3A_146 = arith.constant 112 : index
      %get3A_147 = tpu.vector_load %arg4[%get3A_146] {strides = array<i32>} : memref<256xi32, #tpu.memory_space<vmem>>, vector<16xi32>,
      tpu.vector_store_idx %arg5[%iota3A, %get3A_147], %broadcast_in_dim3A_132 {add = true} : memref<16x24xf32, #tpu.memory_space<vmem>>[vector<16xi32>, vector<16xi32>], vector<16xf32>,
      %get3A_148 = arith.constant 128 : index
      %get3A_149 = tpu.vector_load %arg4[%get3A_148] {strides = array<i32>} : memref<256xi32, #tpu.memory_space<vmem>>, vector<16xi32>,
      tpu.vector_store_idx %arg5[%iota3A, %get3A_149], %broadcast_in_dim3A_132 {add = true} : memref<16x24xf32, #tpu.memory_space<vmem>>[vector<16xi32>, vector<16xi32>], vector<16xf32>,
      %get3A_150 = arith.constant 144 : index
      %get3A_151 = tpu.vector_load %arg4[%get3A_150] {strides = array<i32>} : memref<256xi32, #tpu.memory_space<vmem>>, vector<16xi32>,
      tpu.vector_store_idx %arg5[%iota3A, %get3A_151], %broadcast_in_dim3A_132 {add = true} : memref<16x24xf32, #tpu.memory_space<vmem>>[vector<16xi32>, vector<16xi32>], vector<16xf32>,
      %get3A_152 = arith.constant 160 : index
      %get3A_153 = tpu.vector_load %arg4[%get3A_152] {strides = array<i32>} : memref<256xi32, #tpu.memory_space<vmem>>, vector<16xi32>,
      tpu.vector_store_idx %arg5[%iota3A, %get3A_153], %broadcast_in_dim3A_132 {add = true} : memref<16x24xf32, #tpu.memory_space<vmem>>[vector<16xi32>, vector<16xi32>], vector<16xf32>,
      %get3A_154 = arith.constant 176 : index
      %get3A_155 = tpu.vector_load %arg4[%get3A_154] {strides = array<i32>} : memref<256xi32, #tpu.memory_space<vmem>>, vector<16xi32>,
      tpu.vector_store_idx %arg5[%iota3A, %get3A_155], %broadcast_in_dim3A_132 {add = true} : memref<16x24xf32, #tpu.memory_space<vmem>>[vector<16xi32>, vector<16xi32>], vector<16xf32>,
      %get3A_156 = arith.constant 192 : index
      %get3A_157 = tpu.vector_load %arg4[%get3A_156] {strides = array<i32>} : memref<256xi32, #tpu.memory_space<vmem>>, vector<16xi32>,
      tpu.vector_store_idx %arg5[%iota3A, %get3A_157], %broadcast_in_dim3A_132 {add = true} : memref<16x24xf32, #tpu.memory_space<vmem>>[vector<16xi32>, vector<16xi32>], vector<16xf32>,
      %get3A_158 = arith.constant 208 : index
      %get3A_159 = tpu.vector_load %arg4[%get3A_158] {strides = array<i32>} : memref<256xi32, #tpu.memory_space<vmem>>, vector<16xi32>,
      tpu.vector_store_idx %arg5[%iota3A, %get3A_159], %broadcast_in_dim3A_132 {add = true} : memref<16x24xf32, #tpu.memory_space<vmem>>[vector<16xi32>, vector<16xi32>], vector<16xf32>,
      %get3A_160 = arith.constant 224 : index
      %get3A_161 = tpu.vector_load %arg4[%get3A_160] {strides = array<i32>} : memref<256xi32, #tpu.memory_space<vmem>>, vector<16xi32>,
      tpu.vector_store_idx %arg5[%iota3A, %get3A_161], %broadcast_in_dim3A_132 {add = true} : memref<16x24xf32, #tpu.memory_space<vmem>>[vector<16xi32>, vector<16xi32>], vector<16xf32>,
      %get3A_162 = arith.constant 240 : index
      %get3A_163 = tpu.vector_load %arg4[%get3A_162] {strides = array<i32>} : memref<256xi32, #tpu.memory_space<vmem>>, vector<16xi32>,
      tpu.vector_store_idx %arg5[%iota3A, %get3A_163], %broadcast_in_dim3A_132 {add = true} : memref<16x24xf32, #tpu.memory_space<vmem>>[vector<16xi32>, vector<16xi32>], vector<16xf32>,
      "tpu.region"() ({
        %run_scoped3A = tpu.sem_alloc : memref<!tpu.dma_semaphore, #tpu.memory_space<semaphore_mem>>
        %dma_start3A = arith.constant 0 : i32
        %dma_start3A_164 = arith.constant 0 : i32
        %dma_start3A_165 = tpu.memref_slice %arg3[%add3A, %dma_start3A, %dma_start3A_164] : memref<24x16x24xf32, #tpu.memory_space<hbm>> -> memref<1x16x24xf32, #tpu.memory_space<hbm>>
        %dma_start3A_166 = tpu.memref_squeeze %dma_start3A_165 : memref<1x16x24xf32, #tpu.memory_space<hbm>> -> memref<16x24xf32, #tpu.memory_space<hbm>>
        %dma_start3A_167 = arith.constant 0 : i32
        %dma_start3A_168 = arith.constant 0 : i32
        %dma_start3A_169 = tpu.memref_slice %arg3[%add3A, %dma_start3A_167, %dma_start3A_168] : memref<24x16x24xf32, #tpu.memory_space<hbm>> -> memref<1x16x24xf32, #tpu.memory_space<hbm>>
        %dma_start3A_170 = tpu.memref_squeeze %dma_start3A_169 : memref<1x16x24xf32, #tpu.memory_space<hbm>> -> memref<16x24xf32, #tpu.memory_space<hbm>>
        tpu.enqueue_dma source(%arg5 : memref<16x24xf32, #tpu.memory_space<vmem>>) target(%dma_start3A_170 : memref<16x24xf32, #tpu.memory_space<hbm>>) target_semaphore(%run_scoped3A : memref<!tpu.dma_semaphore, #tpu.memory_space<semaphore_mem>>)
        %dma_wait3A = arith.constant 0 : i32
        %dma_wait3A_171 = arith.constant 0 : i32
        %dma_wait3A_172 = tpu.memref_slice %arg3[%add3A, %dma_wait3A, %dma_wait3A_171] : memref<24x16x24xf32, #tpu.memory_space<hbm>> -> memref<1x16x24xf32, #tpu.memory_space<hbm>>
        %dma_wait3A_173 = tpu.memref_squeeze %dma_wait3A_172 : memref<1x16x24xf32, #tpu.memory_space<hbm>> -> memref<16x24xf32, #tpu.memory_space<hbm>>
        %dma_wait3A_174 = arith.constant 0 : i32
        %dma_wait3A_175 = arith.constant 0 : i32
        %dma_wait3A_176 = tpu.memref_slice %arg3[%add3A, %dma_wait3A_174, %dma_wait3A_175] : memref<24x16x24xf32, #tpu.memory_space<hbm>> -> memref<1x16x24xf32, #tpu.memory_space<hbm>>
        %dma_wait3A_177 = tpu.memref_squeeze %dma_wait3A_176 : memref<1x16x24xf32, #tpu.memory_space<hbm>> -> memref<16x24xf32, #tpu.memory_space<hbm>>
        tpu.wait_dma2 semaphore(%run_scoped3A : memref<!tpu.dma_semaphore, #tpu.memory_space<semaphore_mem>>) src(%arg5 : memref<16x24xf32, #tpu.memory_space<vmem>>) dst(%dma_wait3A_177 : memref<16x24xf32, #tpu.memory_space<hbm>>)
        tpu.yield
      }) : () -> ()
    } else {
    }
    return
  }
}

module attributes {stable_mosaic.version = 14 : i64} {
  func.func @_tc_body(%arg0: i32, %arg1: memref<24x16x24xf32, #tpu.memory_space<vmem>>, %arg2: memref<24x10000xf32, #tpu.memory_space<vmem>>, %arg3: memref<24x10000xf32, #tpu.memory_space<vmem>>, %arg4: memref<24x10000xf32, #tpu.memory_space<vmem>>, %arg5: memref<24x10000xf32, #tpu.memory_space<vmem>>, %arg6: memref<21x10000xf32, #tpu.memory_space<vmem>>, %arg7: memref<21x10000xf32, #tpu.memory_space<vmem>>, %arg8: memref<21x10000xf32, #tpu.memory_space<vmem>>, %arg9: memref<21x10000xf32, #tpu.memory_space<vmem>>, %arg10: memref<5x10000xf32, #tpu.memory_space<vmem>>, %arg11: memref<1x5xf32, #tpu.memory_space<vmem>>) attributes {dimension_semantics = [#tpu.dimension_semantics<arbitrary>], iteration_bounds = array<i64: 1>, scalar_prefetch = 0 : i64, scratch_operands = 0 : i64, tpu.core_type = #tpu.core_type<tc>, window_params = [{pipeline_mode = #tpu.pipeline_mode<synchronous>, transform_indices = @transform_0, window_bounds = array<i64: 24, 16, 24>}, {transform_indices = @transform_1, window_bounds = array<i64: 24, 10000>}, {transform_indices = @transform_2, window_bounds = array<i64: 24, 10000>}, {transform_indices = @transform_3, window_bounds = array<i64: 24, 10000>}, {transform_indices = @transform_4, window_bounds = array<i64: 24, 10000>}, {pipeline_mode = #tpu.pipeline_mode<synchronous>, transform_indices = @transform_5, window_bounds = array<i64: 21, 10000>}, {pipeline_mode = #tpu.pipeline_mode<synchronous>, transform_indices = @transform_6, window_bounds = array<i64: 21, 10000>}, {pipeline_mode = #tpu.pipeline_mode<synchronous>, transform_indices = @transform_7, window_bounds = array<i64: 21, 10000>}, {pipeline_mode = #tpu.pipeline_mode<synchronous>, transform_indices = @transform_8, window_bounds = array<i64: 21, 10000>}, {pipeline_mode = #tpu.pipeline_mode<synchronous>, transform_indices = @transform_9, window_bounds = array<i64: 5, 10000>}, {pipeline_mode = #tpu.pipeline_mode<synchronous>, transform_indices = @transform_10, window_bounds = array<i64: 1, 5>}]} {
    %get3A = arith.constant 0 : index
    %get3A_0 = arith.constant 0 : index
    %get3A_1 = arith.constant 0 : index
    %get3A_2 = vector.load %arg1[%get3A, %get3A_0, %get3A_1] : memref<24x16x24xf32, #tpu.memory_space<vmem>>, vector<24x16x24xf32>
    %reduce_sum3A = arith.constant dense<0.000000e+00> : vector<24x24xf32>
    %reduce_sum3A_3 = vector.multi_reduction <add>, %get3A_2, %reduce_sum3A [1] : vector<24x16x24xf32> to vector<24x24xf32>
    %get3A_4 = arith.constant 0 : index
    %get3A_5 = arith.constant 0 : index
    %get3A_6 = vector.load %arg2[%get3A_4, %get3A_5] : memref<24x10000xf32, #tpu.memory_space<vmem>>, vector<21x10000xf32>
    %get3A_7 = arith.constant 0 : index
    %get3A_8 = arith.constant 0 : index
    %get3A_9 = vector.load %arg6[%get3A_7, %get3A_8] : memref<21x10000xf32, #tpu.memory_space<vmem>>, vector<21x10000xf32>
    %mul3A = arith.mulf %get3A_6, %get3A_9 : vector<21x10000xf32>
    %slice3A = vector.extract_strided_slice %reduce_sum3A_3 {offsets = [0, 0], sizes = [6, 21], strides = [1, 1]} : vector<24x24xf32> to vector<6x21xf32>
    %dot_general3A = arith.constant dense<0.000000e+00> : vector<6x10000xf32>
    %dot_general3A_10 = tpu.matmul %slice3A, %mul3A, %dot_general3A {dimension_numbers = #tpu.dot_dimension_numbers<[1], [0], [0], [1], [0, 0, 1, 1], [], []>, transpose_lhs_hint = false} : vector<6x21xf32>, vector<21x10000xf32>, vector<6x10000xf32> -> vector<6x10000xf32>
    %get3A_11 = arith.constant 0 : index
    %get3A_12 = arith.constant 0 : index
    %get3A_13 = vector.load %arg3[%get3A_11, %get3A_12] : memref<24x10000xf32, #tpu.memory_space<vmem>>, vector<21x10000xf32>
    %get3A_14 = arith.constant 0 : index
    %get3A_15 = arith.constant 0 : index
    %get3A_16 = vector.load %arg7[%get3A_14, %get3A_15] : memref<21x10000xf32, #tpu.memory_space<vmem>>, vector<21x10000xf32>
    %mul3A_17 = arith.mulf %get3A_13, %get3A_16 : vector<21x10000xf32>
    %slice3A_18 = vector.extract_strided_slice %reduce_sum3A_3 {offsets = [6, 0], sizes = [6, 21], strides = [1, 1]} : vector<24x24xf32> to vector<6x21xf32>
    %dot_general3A_19 = arith.constant dense<0.000000e+00> : vector<6x10000xf32>
    %dot_general3A_20 = tpu.matmul %slice3A_18, %mul3A_17, %dot_general3A_19 {dimension_numbers = #tpu.dot_dimension_numbers<[1], [0], [0], [1], [0, 0, 1, 1], [], []>, transpose_lhs_hint = false} : vector<6x21xf32>, vector<21x10000xf32>, vector<6x10000xf32> -> vector<6x10000xf32>
    %add3A = arith.addf %dot_general3A_10, %dot_general3A_20 : vector<6x10000xf32>
    %get3A_21 = arith.constant 0 : index
    %get3A_22 = arith.constant 0 : index
    %get3A_23 = vector.load %arg4[%get3A_21, %get3A_22] : memref<24x10000xf32, #tpu.memory_space<vmem>>, vector<21x10000xf32>
    %get3A_24 = arith.constant 0 : index
    %get3A_25 = arith.constant 0 : index
    %get3A_26 = vector.load %arg8[%get3A_24, %get3A_25] : memref<21x10000xf32, #tpu.memory_space<vmem>>, vector<21x10000xf32>
    %mul3A_27 = arith.mulf %get3A_23, %get3A_26 : vector<21x10000xf32>
    %slice3A_28 = vector.extract_strided_slice %reduce_sum3A_3 {offsets = [12, 0], sizes = [6, 21], strides = [1, 1]} : vector<24x24xf32> to vector<6x21xf32>
    %dot_general3A_29 = arith.constant dense<0.000000e+00> : vector<6x10000xf32>
    %dot_general3A_30 = tpu.matmul %slice3A_28, %mul3A_27, %dot_general3A_29 {dimension_numbers = #tpu.dot_dimension_numbers<[1], [0], [0], [1], [0, 0, 1, 1], [], []>, transpose_lhs_hint = false} : vector<6x21xf32>, vector<21x10000xf32>, vector<6x10000xf32> -> vector<6x10000xf32>
    %add3A_31 = arith.addf %add3A, %dot_general3A_30 : vector<6x10000xf32>
    %get3A_32 = arith.constant 0 : index
    %get3A_33 = arith.constant 0 : index
    %get3A_34 = vector.load %arg5[%get3A_32, %get3A_33] : memref<24x10000xf32, #tpu.memory_space<vmem>>, vector<21x10000xf32>
    %get3A_35 = arith.constant 0 : index
    %get3A_36 = arith.constant 0 : index
    %get3A_37 = vector.load %arg9[%get3A_35, %get3A_36] : memref<21x10000xf32, #tpu.memory_space<vmem>>, vector<21x10000xf32>
    %mul3A_38 = arith.mulf %get3A_34, %get3A_37 : vector<21x10000xf32>
    %slice3A_39 = vector.extract_strided_slice %reduce_sum3A_3 {offsets = [18, 0], sizes = [6, 21], strides = [1, 1]} : vector<24x24xf32> to vector<6x21xf32>
    %dot_general3A_40 = arith.constant dense<0.000000e+00> : vector<6x10000xf32>
    %dot_general3A_41 = tpu.matmul %slice3A_39, %mul3A_38, %dot_general3A_40 {dimension_numbers = #tpu.dot_dimension_numbers<[1], [0], [0], [1], [0, 0, 1, 1], [], []>, transpose_lhs_hint = false} : vector<6x21xf32>, vector<21x10000xf32>, vector<6x10000xf32> -> vector<6x10000xf32>
    %add3A_42 = arith.addf %add3A_31, %dot_general3A_41 : vector<6x10000xf32>
    %slice3A_43 = vector.extract_strided_slice %add3A_42 {offsets = [0, 0], sizes = [1, 10000], strides = [1, 1]} : vector<6x10000xf32> to vector<1x10000xf32>
    %slice3A_44 = vector.extract_strided_slice %add3A_42 {offsets = [1, 0], sizes = [1, 10000], strides = [1, 1]} : vector<6x10000xf32> to vector<1x10000xf32>
    %slice3A_45 = vector.extract_strided_slice %add3A_42 {offsets = [2, 0], sizes = [1, 10000], strides = [1, 1]} : vector<6x10000xf32> to vector<1x10000xf32>
    %slice3A_46 = vector.extract_strided_slice %add3A_42 {offsets = [3, 0], sizes = [1, 10000], strides = [1, 1]} : vector<6x10000xf32> to vector<1x10000xf32>
    %slice3A_47 = vector.extract_strided_slice %add3A_42 {offsets = [4, 0], sizes = [1, 10000], strides = [1, 1]} : vector<6x10000xf32> to vector<1x10000xf32>
    %slice3A_48 = vector.extract_strided_slice %add3A_42 {offsets = [5, 0], sizes = [1, 10000], strides = [1, 1]} : vector<6x10000xf32> to vector<1x10000xf32>
    %broadcast_in_dim3A = arith.constant 0.000000e+00 : f32
    %broadcast_in_dim3A_49 = vector.broadcast %broadcast_in_dim3A : f32 to vector<1x10000xf32>
    %add3A_50 = arith.addf %slice3A_43, %broadcast_in_dim3A_49 : vector<1x10000xf32>
    %slice3A_51 = vector.extract_strided_slice %add3A_50 {offsets = [0, 9999], sizes = [1, 1], strides = [1, 1]} : vector<1x10000xf32> to vector<1x1xf32>
    %slice3A_52 = vector.extract_strided_slice %add3A_50 {offsets = [0, 0], sizes = [1, 9999], strides = [1, 1]} : vector<1x10000xf32> to vector<1x9999xf32>
    %concatenate3A = tpu.concatenate %slice3A_51, %slice3A_52 in 1 : vector<1x1xf32>, vector<1x9999xf32> -> vector<1x10000xf32>
    %add3A_53 = arith.addf %slice3A_44, %broadcast_in_dim3A_49 : vector<1x10000xf32>
    %mul3A_54 = arith.mulf %concatenate3A, %add3A_53 : vector<1x10000xf32>
    %slice3A_55 = vector.extract_strided_slice %mul3A_54 {offsets = [0, 9999], sizes = [1, 1], strides = [1, 1]} : vector<1x10000xf32> to vector<1x1xf32>
    %slice3A_56 = vector.extract_strided_slice %mul3A_54 {offsets = [0, 0], sizes = [1, 9999], strides = [1, 1]} : vector<1x10000xf32> to vector<1x9999xf32>
    %concatenate3A_57 = tpu.concatenate %slice3A_55, %slice3A_56 in 1 : vector<1x1xf32>, vector<1x9999xf32> -> vector<1x10000xf32>
    %add3A_58 = arith.addf %slice3A_45, %broadcast_in_dim3A_49 : vector<1x10000xf32>
    %mul3A_59 = arith.mulf %concatenate3A_57, %add3A_58 : vector<1x10000xf32>
    %slice3A_60 = vector.extract_strided_slice %mul3A_59 {offsets = [0, 9999], sizes = [1, 1], strides = [1, 1]} : vector<1x10000xf32> to vector<1x1xf32>
    %slice3A_61 = vector.extract_strided_slice %mul3A_59 {offsets = [0, 0], sizes = [1, 9999], strides = [1, 1]} : vector<1x10000xf32> to vector<1x9999xf32>
    %concatenate3A_62 = tpu.concatenate %slice3A_60, %slice3A_61 in 1 : vector<1x1xf32>, vector<1x9999xf32> -> vector<1x10000xf32>
    %add3A_63 = arith.addf %slice3A_46, %broadcast_in_dim3A_49 : vector<1x10000xf32>
    %mul3A_64 = arith.mulf %concatenate3A_62, %add3A_63 : vector<1x10000xf32>
    %add3A_65 = arith.addf %broadcast_in_dim3A_49, %mul3A_64 : vector<1x10000xf32>
    %add3A_66 = arith.addf %slice3A_44, %add3A_65 : vector<1x10000xf32>
    %slice3A_67 = vector.extract_strided_slice %add3A_66 {offsets = [0, 9999], sizes = [1, 1], strides = [1, 1]} : vector<1x10000xf32> to vector<1x1xf32>
    %slice3A_68 = vector.extract_strided_slice %add3A_66 {offsets = [0, 0], sizes = [1, 9999], strides = [1, 1]} : vector<1x10000xf32> to vector<1x9999xf32>
    %concatenate3A_69 = tpu.concatenate %slice3A_67, %slice3A_68 in 1 : vector<1x1xf32>, vector<1x9999xf32> -> vector<1x10000xf32>
    %add3A_70 = arith.addf %slice3A_45, %add3A_65 : vector<1x10000xf32>
    %mul3A_71 = arith.mulf %concatenate3A_69, %add3A_70 : vector<1x10000xf32>
    %slice3A_72 = vector.extract_strided_slice %mul3A_71 {offsets = [0, 9999], sizes = [1, 1], strides = [1, 1]} : vector<1x10000xf32> to vector<1x1xf32>
    %slice3A_73 = vector.extract_strided_slice %mul3A_71 {offsets = [0, 0], sizes = [1, 9999], strides = [1, 1]} : vector<1x10000xf32> to vector<1x9999xf32>
    %concatenate3A_74 = tpu.concatenate %slice3A_72, %slice3A_73 in 1 : vector<1x1xf32>, vector<1x9999xf32> -> vector<1x10000xf32>
    %add3A_75 = arith.addf %slice3A_46, %add3A_65 : vector<1x10000xf32>
    %mul3A_76 = arith.mulf %concatenate3A_74, %add3A_75 : vector<1x10000xf32>
    %slice3A_77 = vector.extract_strided_slice %mul3A_76 {offsets = [0, 9999], sizes = [1, 1], strides = [1, 1]} : vector<1x10000xf32> to vector<1x1xf32>
    %slice3A_78 = vector.extract_strided_slice %mul3A_76 {offsets = [0, 0], sizes = [1, 9999], strides = [1, 1]} : vector<1x10000xf32> to vector<1x9999xf32>
    %concatenate3A_79 = tpu.concatenate %slice3A_77, %slice3A_78 in 1 : vector<1x1xf32>, vector<1x9999xf32> -> vector<1x10000xf32>
    %add3A_80 = arith.addf %slice3A_47, %add3A_65 : vector<1x10000xf32>
    %mul3A_81 = arith.mulf %concatenate3A_79, %add3A_80 : vector<1x10000xf32>
    %add3A_82 = arith.addf %add3A_65, %mul3A_81 : vector<1x10000xf32>
    %add3A_83 = arith.addf %slice3A_45, %add3A_82 : vector<1x10000xf32>
    %slice3A_84 = vector.extract_strided_slice %add3A_83 {offsets = [0, 9999], sizes = [1, 1], strides = [1, 1]} : vector<1x10000xf32> to vector<1x1xf32>
    %slice3A_85 = vector.extract_strided_slice %add3A_83 {offsets = [0, 0], sizes = [1, 9999], strides = [1, 1]} : vector<1x10000xf32> to vector<1x9999xf32>
    %concatenate3A_86 = tpu.concatenate %slice3A_84, %slice3A_85 in 1 : vector<1x1xf32>, vector<1x9999xf32> -> vector<1x10000xf32>
    %add3A_87 = arith.addf %slice3A_46, %add3A_82 : vector<1x10000xf32>
    %mul3A_88 = arith.mulf %concatenate3A_86, %add3A_87 : vector<1x10000xf32>
    %slice3A_89 = vector.extract_strided_slice %mul3A_88 {offsets = [0, 9999], sizes = [1, 1], strides = [1, 1]} : vector<1x10000xf32> to vector<1x1xf32>
    %slice3A_90 = vector.extract_strided_slice %mul3A_88 {offsets = [0, 0], sizes = [1, 9999], strides = [1, 1]} : vector<1x10000xf32> to vector<1x9999xf32>
    %concatenate3A_91 = tpu.concatenate %slice3A_89, %slice3A_90 in 1 : vector<1x1xf32>, vector<1x9999xf32> -> vector<1x10000xf32>
    %add3A_92 = arith.addf %slice3A_47, %add3A_82 : vector<1x10000xf32>
    %mul3A_93 = arith.mulf %concatenate3A_91, %add3A_92 : vector<1x10000xf32>
    %slice3A_94 = vector.extract_strided_slice %mul3A_93 {offsets = [0, 9999], sizes = [1, 1], strides = [1, 1]} : vector<1x10000xf32> to vector<1x1xf32>
    %slice3A_95 = vector.extract_strided_slice %mul3A_93 {offsets = [0, 0], sizes = [1, 9999], strides = [1, 1]} : vector<1x10000xf32> to vector<1x9999xf32>
    %concatenate3A_96 = tpu.concatenate %slice3A_94, %slice3A_95 in 1 : vector<1x1xf32>, vector<1x9999xf32> -> vector<1x10000xf32>
    %add3A_97 = arith.addf %slice3A_48, %add3A_82 : vector<1x10000xf32>
    %mul3A_98 = arith.mulf %concatenate3A_96, %add3A_97 : vector<1x10000xf32>
    %add3A_99 = arith.addf %add3A_82, %mul3A_98 : vector<1x10000xf32>
    %add3A_100 = arith.addf %slice3A_43, %slice3A_44 : vector<1x10000xf32>
    %add3A_101 = arith.addf %add3A_100, %slice3A_45 : vector<1x10000xf32>
    %add3A_102 = arith.addf %add3A_101, %slice3A_46 : vector<1x10000xf32>
    %add3A_103 = arith.addf %add3A_102, %slice3A_47 : vector<1x10000xf32>
    %add3A_104 = arith.addf %add3A_103, %slice3A_48 : vector<1x10000xf32>
    %mul3A_105 = arith.constant 6.000000e+00 : f32
    %mul3A_106 = vector.broadcast %mul3A_105 : f32 to vector<1x10000xf32>
    %mul3A_107 = arith.mulf %mul3A_106, %add3A_99 : vector<1x10000xf32>
    %add3A_108 = arith.addf %add3A_104, %mul3A_107 : vector<1x10000xf32>
    %gt3A = arith.constant 0.000000e+00 : f32
    %gt3A_109 = vector.broadcast %gt3A : f32 to vector<1x10000xf32>
    %gt3A_110 = arith.cmpf ogt, %add3A_108, %gt3A_109 : vector<1x10000xf32>
    %jit3A = arith.constant 1.000000e+00 : f32
    %jit3A_111 = arith.constant -1.000000e+00 : f32
    %broadcast_in_dim3A_112 = vector.broadcast %jit3A : f32 to vector<1x10000xf32>
    %broadcast_in_dim3A_113 = vector.broadcast %jit3A_111 : f32 to vector<1x10000xf32>
    %select_n3A = arith.select %gt3A_110, %broadcast_in_dim3A_112, %broadcast_in_dim3A_113 : vector<1x10000xi1>, vector<1x10000xf32>
    %get3A_114 = arith.constant 0 : index
    %get3A_115 = arith.constant 0 : index
    %get3A_116 = vector.load %arg10[%get3A_114, %get3A_115] : memref<5x10000xf32, #tpu.memory_space<vmem>>, vector<5x10000xf32>
    %dot_general3A_117 = arith.constant dense<0.000000e+00> : vector<1x5xf32>
    %dot_general3A_118 = tpu.matmul %select_n3A, %get3A_116, %dot_general3A_117 {dimension_numbers = #tpu.dot_dimension_numbers<[1], [1], [0], [0], [0, 0, 1, 0], [], []>, transpose_lhs_hint = false} : vector<1x10000xf32>, vector<5x10000xf32>, vector<1x5xf32> -> vector<1x5xf32>
    %swap3A = arith.constant 0 : index
    %swap3A_119 = arith.constant 0 : index
    %swap3A_120 = vector.load %arg11[%swap3A, %swap3A_119] : memref<1x5xf32, #tpu.memory_space<vmem>>, vector<1x5xf32>
    tpu.vector_store %arg11[%swap3A, %swap3A_119], %dot_general3A_118 {strides = array<i32>} : memref<1x5xf32, #tpu.memory_space<vmem>>, vector<1x5xf32>,
    return
  }
  func.func @transform_0(%arg0: i32) -> (i32, i32, i32) {
    %c0_i32 = arith.constant 0 : i32
    %c0_i32_0 = arith.constant 0 : i32
    %c0_i32_1 = arith.constant 0 : i32
    %c0_i32_2 = arith.constant 0 : i32
    return %c0_i32, %c0_i32_0, %c0_i32_1 : i32, i32, i32
  }
  func.func @transform_1(%arg0: i32) -> (i32, i32) {
    %c0_i32 = arith.constant 0 : i32
    %c0_i32_0 = arith.constant 0 : i32
    %c0_i32_1 = arith.constant 0 : i32
    return %c0_i32, %c0_i32_0 : i32, i32
  }
  func.func @transform_2(%arg0: i32) -> (i32, i32) {
    %c0_i32 = arith.constant 0 : i32
    %c0_i32_0 = arith.constant 0 : i32
    %c0_i32_1 = arith.constant 0 : i32
    return %c0_i32, %c0_i32_0 : i32, i32
  }
  func.func @transform_3(%arg0: i32) -> (i32, i32) {
    %c0_i32 = arith.constant 0 : i32
    %c0_i32_0 = arith.constant 0 : i32
    %c0_i32_1 = arith.constant 0 : i32
    return %c0_i32, %c0_i32_0 : i32, i32
  }
  func.func @transform_4(%arg0: i32) -> (i32, i32) {
    %c0_i32 = arith.constant 0 : i32
    %c0_i32_0 = arith.constant 0 : i32
    %c0_i32_1 = arith.constant 0 : i32
    return %c0_i32, %c0_i32_0 : i32, i32
  }
  func.func @transform_5(%arg0: i32) -> (i32, i32) {
    %c0_i32 = arith.constant 0 : i32
    %c0_i32_0 = arith.constant 0 : i32
    %c0_i32_1 = arith.constant 0 : i32
    return %c0_i32, %c0_i32_0 : i32, i32
  }
  func.func @transform_6(%arg0: i32) -> (i32, i32) {
    %c0_i32 = arith.constant 0 : i32
    %c0_i32_0 = arith.constant 0 : i32
    %c0_i32_1 = arith.constant 0 : i32
    return %c0_i32, %c0_i32_0 : i32, i32
  }
  func.func @transform_7(%arg0: i32) -> (i32, i32) {
    %c0_i32 = arith.constant 0 : i32
    %c0_i32_0 = arith.constant 0 : i32
    %c0_i32_1 = arith.constant 0 : i32
    return %c0_i32, %c0_i32_0 : i32, i32
  }
  func.func @transform_8(%arg0: i32) -> (i32, i32) {
    %c0_i32 = arith.constant 0 : i32
    %c0_i32_0 = arith.constant 0 : i32
    %c0_i32_1 = arith.constant 0 : i32
    return %c0_i32, %c0_i32_0 : i32, i32
  }
  func.func @transform_9(%arg0: i32) -> (i32, i32) {
    %c0_i32 = arith.constant 0 : i32
    %c0_i32_0 = arith.constant 0 : i32
    %c0_i32_1 = arith.constant 0 : i32
    return %c0_i32, %c0_i32_0 : i32, i32
  }
  func.func @transform_10(%arg0: i32) -> (i32, i32) {
    %c0_i32 = arith.constant 0 : i32
    %c0_i32_0 = arith.constant 0 : i32
    %c0_i32_1 = arith.constant 0 : i32
    return %c0_i32, %c0_i32_0 : i32, i32
  }
}

</mosaic_0001>

<sc_bundles>
// kernel: _run.4.cloned.1.call-start
scs
__scs_entry_jumppad:
0x0: {  	(pc) =	sbr.rel $0x88, $3  }
0x1: {  	(tag) =	ssettag $0x0;
	lr =	simm.s32 $0x1  }
0x2: {  	[smem:$0x3F97] =	sst lr;
	_ =	strace $0xD0000000  }
0x3: {  	_ = 	snop  }
0x4: {  	_ = 	snop  }
0x5: {  	_ = 	snop  }
0x6: {  	_ = 	snop  }
0x7: {  	_ = 	snop  }
__scs_overlays_trampoline_lowered:
0x8: {  	[smem:$0x3FA6] =	sst s0  }
0x9: {  	[smem:$0x3FA7] =	sst s1  }
0xa: {  	[smem:$0x3FA8] =	sst s2  }
0xb: {  	[smem:$0x3FA9] =	sst s3  }
0xc: {  	[smem:$0x3FAA] =	sst s4  }
0xd: {  	[smem:$0x3FAB] =	sst s5  }
0xe: {  	[smem:$0x3FAC] =	sst s6  }
0xf: {  	[smem:$0x3FAD] =	sst s7  }
0x10: {  	[smem:$0x3FAE] =	sst s8  }
0x11: {  	[smem:$0x3FAF] =	sst s9;
	s0 =	simm.s32 @!p0 $0x0  }
0x12: {  	s1 =	sld [smem:$0x3F95];
	s0 =	simm.s32 @p0 $0x1  }
0x13: {  	[smem:$0x3FB0] =	sst s0;
	s0 =	simm.s32 @!p1 $0x0  }
0x14: {  	s2 =	sld [smem:$0x3F94];
	s0 =	simm.s32 @p1 $0x1  }
0x15: {  	[smem:$0x3FB1] =	sst s0;
	s0 =	simm.s32 @!p2 $0x0  }
0x16: {  	s3 =	sld [smem:$0x3FDB];
	s0 =	simm.s32 @p2 $0x1  }
0x17: {  	s4 =	simm.s32 $0x1BF5;
	[smem:$0x3FB3] =	sst s0  }
0x18: {  	s0 =	sld [smem:$0x3F96];
	_ =	swait.ge [sflag:s4], $0x0  }
0x19: {  	s7 =	sld [smem:$0x3F97]  }
0x1a: {  	s8 =	sadd.s32 $0xFFFFE003, lr  }
0x1b: {  	s9 =	sadd.s32 $0xFFFFFEF7, lr;
	s5 =	simm.s32 $0xFFFFFFFF;
	p2 =	slt.u32 s8, $0xFFFFF086  }
0x1c: {  	p1 =	slt.u32 s9, $0xF7A;
	s5 =	simm.s32 @!p2 $0x0  }
0x1d: {  	s5 =	simm.s32 @p1 $0x1;
	p0 =	seq.s32 s7, s2  }
0x1e: {  	s7 =	smul.u32 @!p0 $0xF7A, s2;
	p2 =	seq.s32 @!p0 s5, $0x0  }
0x1f: {  	s9 =	smul.u32 $0xF7A, s1;
	s8 =	simm.s32 @!p0 $0x1BF5;
	p2 =	por !p2, p0  }
0x20: {  	[sflag:s8] =	ssyncset.s32 @!p0 $0xFFFFF086;
	s6 =	sadd.s32 @!p0 s3, s7;
	s7 =	simm.s32 @!p0 $0x108  }
0x21: {  	s3 =	sadd.s32 s3, s9;
	s6 =	sadd.s32 @!p0 $0x88, s6;
	s7 =	simm.s32 @p2 $0x1082  }
0x22: {  	[simem:s7], [sflag:s8] =	dma.local @!p0 [hbm:s6], $0xF7A  }
0x23: {  	s9 =	sor.u32 $0xD0000000, s2;
	s6 =	simm.s32 $0x108;
	_ =	swait.ge @!p0 [sflag:s8], $0x0  }
0x24: {  	s3 =	sadd.s32 $0x88, s3;
	s6 =	simm.s32 @!p1 $0x1082;
	[sflag:s4] =	ssyncset.s32 $0xFFFFF086  }
0x25: {  	[simem:s6], [sflag:s4] =	dma.local [hbm:s3], $0xF7A  }
0x26: {  	[smem:$0x3F97] =	sst s1;
	(tag) =	ssettag s2;
	_ =	strace s9  }
0x27: {  	s1 =	sld [smem:$0x3FA7]  }
0x28: {  	s2 =	sld [smem:$0x3FA8]  }
0x29: {  	s4 =	sld [smem:$0x3FAA]  }
0x2a: {  	p0 =	seq.s32 s5, $0x0;
	s5 =	sld [smem:$0x3FAB]  }
0x2b: {  	s6 =	sld [smem:$0x3FAC]  }
0x2c: {  	s7 =	sld [smem:$0x3FAD]  }
0x2d: {  	s3 =	simm.s32 $0x108;
	s8 =	sld [smem:$0x3FAE]  }
0x2e: {  	s3 =	simm.s32 @!p0 $0x1082;
	s9 =	sld [smem:$0x3FAF]  }
0x2f: {  	lr =	sadd.s32 s0, s3;
	s0 =	sld [smem:$0x3FA6]  }
0x30: {  	s3 =	sld [smem:$0x3FA9]  }
0x31: {  	[smem:$0x3FB2] =	sst s10  }
0x32: {  	s10 =	sld [smem:$0x3FB0];
	_ =	sdelay $0x3  }
0x33: {  	p0 =	seq.s32 s10, $0x1;
	s10 =	sld [smem:$0x3FB2];
	_ =	sdelay $0x3  }
0x34: {  	[smem:$0x3FB2] =	sst s10  }
0x35: {  	s10 =	sld [smem:$0x3FB1];
	_ =	sdelay $0x3  }
0x36: {  	p1 =	seq.s32 s10, $0x1;
	s10 =	sld [smem:$0x3FB2];
	_ =	sdelay $0x3  }
0x37: {  	[smem:$0x3FB2] =	sst s10  }
0x38: {  	s10 =	sld [smem:$0x3FB3]  }
0x39: {  	_ = 	snop;
	(pc) =	sbr.ind lr, $3  }
0x3a: {  	_ = 	snop  }
0x3b: {  	_ = 	snop  }
0x3c: {  	p2 =	seq.s32 s10, $0x1;
	s10 =	sld [smem:$0x3FB2]  }
0x3d: {  	_ =	shalt  }
0x3e: {  	_ =	shalt  }
0x3f: {  	_ =	shalt  }
0x40: {  	_ =	shalt  }
0x41: {  	_ =	shalt  }
0x42: {  	_ =	shalt  }
0x43: {  	_ =	shalt  }
0x44: {  	_ =	shalt  }
0x45: {  	_ =	shalt  }
0x46: {  	_ =	shalt  }
0x47: {  	_ =	shalt  }
0x48: {  	_ =	shalt  }
0x49: {  	_ =	shalt  }
0x4a: {  	_ =	shalt  }
0x4b: {  	_ =	shalt  }
0x4c: {  	_ =	shalt  }
0x4d: {  	_ =	shalt  }
0x4e: {  	_ =	shalt  }
0x4f: {  	_ =	shalt  }
0x50: {  	_ =	shalt  }
0x51: {  	_ =	shalt  }
0x52: {  	_ =	shalt  }
0x53: {  	_ =	shalt  }
0x54: {  	_ =	shalt  }
0x55: {  	_ =	shalt  }
0x56: {  	_ =	shalt  }
0x57: {  	_ =	shalt  }
0x58: {  	_ =	shalt  }
0x59: {  	_ =	shalt  }
0x5a: {  	_ =	shalt  }
0x5b: {  	_ =	shalt  }
0x5c: {  	_ =	shalt  }
0x5d: {  	_ =	shalt  }
0x5e: {  	_ =	shalt  }
0x5f: {  	_ =	shalt  }
0x60: {  	_ =	shalt  }
0x61: {  	_ =	shalt  }
0x62: {  	_ =	shalt  }
0x63: {  	_ =	shalt  }
0x64: {  	_ =	shalt  }
0x65: {  	_ =	shalt  }
0x66: {  	_ =	shalt  }
0x67: {  	_ =	shalt  }
0x68: {  	_ =	shalt  }
0x69: {  	_ =	shalt  }
0x6a: {  	_ =	shalt  }
0x6b: {  	_ =	shalt  }
0x6c: {  	_ =	shalt  }
0x6d: {  	_ =	shalt  }
0x6e: {  	_ =	shalt  }
0x6f: {  	_ =	shalt  }
0x70: {  	_ =	shalt  }
0x71: {  	_ =	shalt  }
0x72: {  	_ =	shalt  }
0x73: {  	_ =	shalt  }
0x74: {  	_ =	shalt  }
0x75: {  	_ =	shalt  }
0x76: {  	_ =	shalt  }
0x77: {  	_ =	shalt  }
0x78: {  	_ =	shalt  }
0x79: {  	_ =	shalt  }
0x7a: {  	_ =	shalt  }
0x7b: {  	_ =	shalt  }
0x7c: {  	_ =	shalt  }
0x7d: {  	_ =	shalt  }
0x7e: {  	_ =	shalt  }
0x7f: {  	_ =	shalt  }
0x80: {  	_ =	shalt  }
0x81: {  	_ =	shalt  }
0x82: {  	_ =	shalt  }
0x83: {  	_ =	shalt  }
0x84: {  	_ =	shalt  }
0x85: {  	_ =	shalt  }
0x86: {  	_ =	shalt  }
0x87: {  	_ =	shalt  }
.Lfunc_end0:
.L_simem_size_0:
called_computation_lowered:
.L_overlay_start_0:
0x88: {  	s2 =	sld [smem:$0x3FD9]  }
0x89: {  	s3 =	sld [smem:$0x3FFE];
	_ =	sdelay $0x1  }
0x8a: {  	s1 =	srdreg.scid  }
0x8b: {  	s0 =	sand.u32 $0x1, s1  }
0x8c: {  	s16 =	sshll.u32 s0, $0xA;
	s2 =	sadd.s32 s3, s2  }
0x8d: {  	s2 =	sadd.s32 s2, s16  }
0x8e: {  	[smem:$0x3FBE] =	sst s2  }
0x8f: {  	_ = 	snop  }
0x90: {  	(tm) =	ssettm $0x1  }
0x91: {  	s17 =	sld [smem:$0x3FFB];
	_ =	sdelay $0x3  }
0x92: {  	_ =	strace s17  }
0x93: {  	s2 =	sld [smem:$0x3FFC];
	_ =	sdelay $0x3  }
0x94: {  	_ =	strace s2  }
0x95: {  	s2 =	sld [smem:$0x3FFD];
	_ =	sdelay $0x3  }
0x96: {  	_ =	strace s2  }
0x97: {  	_ =	strace $0x8FFFFFFF  }
0x98: {  	s18 =	sld [smem:$0x3FDB];
	_ =	sdelay $0x1  }
0x99: {  	s19 =	simm.s32 $_scs_section_size  }
0x9a: {  	s4 =	simm.s32 $_size__tile_overlayer_lowered;
	s5 =	simm.s32 $_tile_overlayer_lowered  }
0x9b: {  	s22 =	simm.s32 $0x1BFF;
	s21 =	sshll.u32 s5, $0x1;
	s2 =	sadd.s32 s19, s18  }
0x9c: {  	s6 =	simm.s32 $0x0;
	s20 =	sshll.u32 s4, $0x1;
	s4 =	sadd.s32 s21, s2  }
0x9d: {  	[timem:s6], [sflag:s22] =	dma.local [hbm:s4], s20  }
0x9e: {  	_ =	swait.ge [sflag:s22], s20  }
0x9f: {  	s3 =	ssub.s32 $0x0, s20;
	[sflag:s22] =	ssyncset.done $0x0  }
0xa0: {  	[sflag:s22] =	ssyncadd.s32 s3;
	_ =	sdelay $0x1  }
0xa1: {  	s23 =	simm.s32 $0x1B8B  }
0xa2: {  	_ =	swait.ge [sflag:s23], $0x1  }
0xa3: {  	[sflag:s23] =	ssyncset.done $0x0  }
0xa4: {  	s25 =	simm.s32 $0x1B8E;
	s24 =	sld [smem:$0x3FFE];
	[sflag:s23] =	ssyncadd.s32 $0xFFFFFFFF  }
0xa5: {  	s26 =	simm.s32 $execute0_lowered;
	[smem:$0x3FD2] =	sst s25  }
0xa6: {  	s4 =	sshll.u32 s26, $0x1;
	_ =	strace $0x80000046;
	[dreg:$0x1] =	wrdreg $0xFFFFFFFF  }
0xa7: {  	s28 =	simm.s32 $_size_execute0_lowered;
	s2 =	sadd.s32 s2, s4;
	[dreg:$0x0] =	wrdreg $0x0  }
0xa8: {  	s4 =	sshll.u32 s28, $0x1;
	[dreg:$0x2] =	wrdreg s2  }
0xa9: {  	[dreg:$0x3] =	wrdreg s4  }
0xaa: {  	[dreg:$0x4] =	wrdreg $0xC0  }
0xab: {  	_ =	task [dreg:s6], $0x5FFFF  }
0xac: {  	[dreg:$0x1] =	wrdreg $0xFFFFFFFF  }
0xad: {  	[dreg:$0x0] =	wrdreg $0x60  }
0xae: {  	[dreg:$0x2] =	wrdreg s24  }
0xaf: {  	[dreg:$0x3] =	wrdreg $0x9  }
0xb0: {  	_ =	task.clear_ibuf [dreg:s6], $0x4FFFF;
	_ =	strace $0x90000046  }
0xb1: {  	s29 =	simm.s32 $0x9;
	_ =	strace $0x80000048  }
0xb2: {  	_ =	swait.ge [sflag:s29], $0x1  }
0xb3: {  	[sflag:s29] =	ssyncadd.s32 $0xFFFFFFFF  }
0xb4: {  	_ =	strace $0x90000048  }
0xb5: {  	_ =	sfence  }
0xb6: {  	s30 =	sld [smem:$0x0];
	_ =	sdelay $0x2  }
0xb7: {  	s31 =	sshll.u32 s1, $0xD;
	s1 =	sshrl.u32 s1, $0x2  }
0xb8: {  	s3 =	sand.u32 $0x4000, s31;
	s1 =	sadd.s32 s1, s30  }
0xb9: {  	s0 =	sor.u32 s3, s0;
	s1 =	sshll.u32 s1, $0x11  }
0xba: {  	s0 =	sor.u32 s1, s0  }
0xbb: {  	s0 =	sadd.s32 $0x8F2B, s0  }
0xbc: {  	[sflag:s0] =	ssyncadd.remote.s32 $0x1  }
0xbd: {  	_ =	sfence.sel $0xFFFF  }
0xbe: {  	[dreg:$0x0] =	wrdreg $0xFFFFFFFF;
	(pc) =	sbr.abs _section_cstart, $3  }
0xbf: {  	[dreg:$0x1] =	wrdreg $0xFFFFFFFF  }
0xc0: {  	_ =	task.clear_ibuf [dreg:s6], $0x2FFFF;
	_ =	strace $0x9FFFFFFF  }
0xc1: {  	(tm) =	ssettm $0x7FFFFFFF  }
tec
execute0_lowered:
.L_overlay_start_1:
0x0: {  	(tag) =	ssettag $0x1  }
0x1: {  	s1 =	stileid.u32  }
0x2: {  	p0 =	sgt.u32 s1, $0xB  }
.Ltmp0:
0x3: {  	_ = 	snop;
	(pc) =	sbr.rel @p0 .LBB2_3-.Ltmp0, $4  }
0x4: {  	_ = 	snop  }
0x5: {  	s3 =	rddreg [dreg:$0x0];
	s2 =	simm.s32 $0x0  }
0x6: {  	[smem:$0x7FF] =	sst s2  }
0x7: {  	s0 =	rddreg [dreg:$0x1];
	_ =	strace $0x80000047  }
0x8: {  	s4 =	srdreg.scid  }
0x9: {  	s5 =	sshll.u32 s1, $0x1;
	s6 =	sadd.s32 $0x2800, s3;
	s4 =	sand.u32 $0x1, s4  }
0xa: {  	s9 =	simm.s32 $0x100;
	s5 =	sor.u32 s4, s5;
	s4 =	ssub.s32 $0x2, s4  }
0xb: {  	s7 =	sshll.u32 s5, $0x8;
	s5 =	sshll.u32 s5, $0x7;
	s30 =	sshrl.u32 s4, $0x1  }
0xc: {  	s8 =	sand.u32 $0x1800, s7;
	s5 =	sand.u32 $0x380, s5;
	s29 =	sadd.s32 s7, s3  }
0xd: {  	s7 =	ssub.s32 s4, s30;
	s5 =	sor.u32 s5, s8;
	s3 =	sadd.s32 $0x2C00, s29  }
0xe: {  	v1 =	vlaneseq.u32;
	s8 =	simm.s32 $0x1;
	s31 =	sshrl.u32 s5, $0x3;
	s5 =	smax.u32 s7, $0x1  }
0xf: {  	v0 =	vimm.f32 $0.0e+00;
	v2 =	vimm.f32 $1.000000000e+00;
	v1 =	vmul.u32 $0x80, v1;
	s7 =	simm.s32 $0x400;
	s4 =	sadd.s32 s6, s31;
	s6 =	simm.s32 $0x80  }
.LBB2_2:
0x10: {  	[tilespmem:s2], [sflag:$0x1] =	stream.strided.gather [hbm4b:s4+s6], $0x100, s7, s6, $0x38;
	[tilespmem:$0x900] =	vst v63  }
0x11: {  	_ =	swait.ge [sflag:s8], $0x100  }
0x12: {  	[sflag:s8] =	ssyncset.done $0x0  }
0x13: {  	[sflag:s8] =	ssyncadd.s32 $0xFFFFFF00  }
0x14: {  	[tilespmem:$0x100] =	vst v0  }
0x15: {  	[tilespmem:$0x180] =	vst v0  }
0x16: {  	[tilespmem:$0x200] =	vst v0  }
0x17: {  	[tilespmem:$0x280] =	vst v0  }
0x18: {  	[tilespmem:$0x300] =	vst v0  }
0x19: {  	[tilespmem:$0x380] =	vst v0  }
0x1a: {  	[tilespmem:$0x400] =	vst v0  }
0x1b: {  	[tilespmem:$0x480] =	vst v0  }
0x1c: {  	[tilespmem:$0x500] =	vst v0  }
0x1d: {  	[tilespmem:$0x580] =	vst v0  }
0x1e: {  	[tilespmem:$0x600] =	vst v0  }
0x1f: {  	[tilespmem:$0x680] =	vst v0  }
0x20: {  	[tilespmem:$0x700] =	vst v0  }
0x21: {  	[tilespmem:$0x780] =	vst v0  }
0x22: {  	[tilespmem:$0x800] =	vst v0  }
0x23: {  	[tilespmem:$0x880] =	vst v0  }
0x24: {  	[tilespmem:$0x108] =	vst v0  }
0x25: {  	[tilespmem:$0x188] =	vst v0  }
0x26: {  	[tilespmem:$0x208] =	vst v0  }
0x27: {  	[tilespmem:$0x288] =	vst v0  }
0x28: {  	[tilespmem:$0x308] =	vst v0  }
0x29: {  	[tilespmem:$0x388] =	vst v0  }
0x2a: {  	v3 =	vld [tilespmem:$0x0];
	[tilespmem:$0x408] =	vst v0  }
0x2b: {  	[tilespmem:$0x488] =	vst v0  }
0x2c: {  	[tilespmem:$0x508] =	vst v0  }
0x2d: {  	[tilespmem:$0x588] =	vst v0  }
0x2e: {  	[tilespmem:$0x608] =	vst v0  }
0x2f: {  	[tilespmem:$0x688] =	vst v0;
	v3 =	vadd.s32 v1, v3  }
0x30: {  	[tilespmem:$0x708] =	vst v0  }
0x31: {  	[tilespmem:$0x788] =	vst v0  }
0x32: {  	[tilespmem:$0x808] =	vst v0  }
0x33: {  	[tilespmem:$0x888] =	vst v0  }
0x34: {  	[tilespmem:v3+s9+$0x0] =	vst.idx.add.f32.msk $0xffff, v2  }
0x35: {  	v3 =	vld [tilespmem:$0x10];
	_ =	sdelay $0x4  }
0x36: {  	v3 =	vadd.s32 v1, v3;
	_ =	sdelay $0x4  }
0x37: {  	[tilespmem:v3+s9+$0x0] =	vst.idx.add.f32.msk $0xffff, v2  }
0x38: {  	v3 =	vld [tilespmem:$0x20];
	_ =	sdelay $0x4  }
0x39: {  	v3 =	vadd.s32 v1, v3;
	_ =	sdelay $0x4  }
0x3a: {  	[tilespmem:v3+s9+$0x0] =	vst.idx.add.f32.msk $0xffff, v2  }
0x3b: {  	v3 =	vld [tilespmem:$0x30];
	_ =	sdelay $0x4  }
0x3c: {  	v3 =	vadd.s32 v1, v3;
	_ =	sdelay $0x4  }
0x3d: {  	[tilespmem:v3+s9+$0x0] =	vst.idx.add.f32.msk $0xffff, v2  }
0x3e: {  	v3 =	vld [tilespmem:$0x40];
	_ =	sdelay $0x4  }
0x3f: {  	v3 =	vadd.s32 v1, v3;
	_ =	sdelay $0x4  }
0x40: {  	[tilespmem:v3+s9+$0x0] =	vst.idx.add.f32.msk $0xffff, v2  }
0x41: {  	v3 =	vld [tilespmem:$0x50];
	_ =	sdelay $0x4  }
0x42: {  	v3 =	vadd.s32 v1, v3;
	_ =	sdelay $0x4  }
0x43: {  	[tilespmem:v3+s9+$0x0] =	vst.idx.add.f32.msk $0xffff, v2  }
0x44: {  	v3 =	vld [tilespmem:$0x60];
	_ =	sdelay $0x4  }
0x45: {  	v3 =	vadd.s32 v1, v3;
	_ =	sdelay $0x4  }
0x46: {  	[tilespmem:v3+s9+$0x0] =	vst.idx.add.f32.msk $0xffff, v2  }
0x47: {  	v3 =	vld [tilespmem:$0x70];
	_ =	sdelay $0x4  }
0x48: {  	v3 =	vadd.s32 v1, v3;
	_ =	sdelay $0x4  }
0x49: {  	[tilespmem:v3+s9+$0x0] =	vst.idx.add.f32.msk $0xffff, v2  }
0x4a: {  	v3 =	vld [tilespmem:$0x80];
	_ =	sdelay $0x4  }
0x4b: {  	v3 =	vadd.s32 v1, v3;
	_ =	sdelay $0x4  }
0x4c: {  	[tilespmem:v3+s9+$0x0] =	vst.idx.add.f32.msk $0xffff, v2  }
0x4d: {  	v3 =	vld [tilespmem:$0x90];
	_ =	sdelay $0x4  }
0x4e: {  	v3 =	vadd.s32 v1, v3;
	_ =	sdelay $0x4  }
0x4f: {  	[tilespmem:v3+s9+$0x0] =	vst.idx.add.f32.msk $0xffff, v2  }
0x50: {  	v3 =	vld [tilespmem:$0xA0];
	_ =	sdelay $0x4  }
0x51: {  	v3 =	vadd.s32 v1, v3;
	_ =	sdelay $0x4  }
0x52: {  	[tilespmem:v3+s9+$0x0] =	vst.idx.add.f32.msk $0xffff, v2  }
0x53: {  	v3 =	vld [tilespmem:$0xB0];
	_ =	sdelay $0x4  }
0x54: {  	v3 =	vadd.s32 v1, v3;
	_ =	sdelay $0x4  }
0x55: {  	[tilespmem:v3+s9+$0x0] =	vst.idx.add.f32.msk $0xffff, v2  }
0x56: {  	v3 =	vld [tilespmem:$0xC0];
	_ =	sdelay $0x4  }
0x57: {  	v3 =	vadd.s32 v1, v3;
	_ =	sdelay $0x4  }
0x58: {  	[tilespmem:v3+s9+$0x0] =	vst.idx.add.f32.msk $0xffff, v2  }
0x59: {  	v3 =	vld [tilespmem:$0xD0];
	_ =	sdelay $0x4  }
0x5a: {  	v3 =	vadd.s32 v1, v3;
	_ =	sdelay $0x4  }
0x5b: {  	[tilespmem:v3+s9+$0x0] =	vst.idx.add.f32.msk $0xffff, v2  }
0x5c: {  	v3 =	vld [tilespmem:$0xE0];
	_ =	sdelay $0x4  }
0x5d: {  	v3 =	vadd.s32 v1, v3;
	_ =	sdelay $0x4  }
0x5e: {  	[tilespmem:v3+s9+$0x0] =	vst.idx.add.f32.msk $0xffff, v2  }
0x5f: {  	v3 =	vld [tilespmem:$0xF0];
	_ =	sdelay $0x4  }
0x60: {  	v3 =	vadd.s32 v1, v3;
	_ =	sdelay $0x3  }
0x61: {  	p0 =	sne.s32 s5, $0x1  }
.Ltmp1:
0x62: {  	[tilespmem:v3+s9+$0x0] =	vst.idx.add.f32.msk $0xffff, v2;
	(pc) =	sbr.rel @p0 .LBB2_2-.Ltmp1, $4  }
0x63: {  	[hbm4b:s3+s2] =	stream.linear.scatter [tilespmem:s9], [sflag:$0x1], $0x800, $0x38;
	[tilespmem:$0x900] =	vst v63  }
0x64: {  	_ =	swait.ge [sflag:s8], $0x800  }
0x65: {  	[sflag:s8] =	ssyncset.done $0x0  }
0x66: {  	s5 =	sadd.s32 $0xFFFFFFFF, s5;
	[sflag:s8] =	ssyncadd.s32 $0xFFFFF800  }
.LBB2_3:
0x67: {  	_ =	sfence.sel $0x180000  }
0x68: {  	[bflag:$0x0] =	sbarrier.arrive $0xFFFF  }
0x69: {  	p0 =	sne.s32 s1, $0x0;
	_ =	strace $0x90000047  }
0x6a: {  	s0 =	sadd.s32 @!p0 $0x100000, s0;
	[bflag:$0x2] =	sbarrier.arrive $0xFFFF  }
0x6b: {  	[sflag:s0] =	ssyncadd.tile.s32 @!p0 $0x1;
	_ =	shalt  }
.Lfunc_end2:
_tile_overlayer_lowered:
.L_overlay_start_2:
0x6c: {  	(tag) =	ssettag $0x2  }
0x6d: {  	s0 =	rddreg [dreg:$0x0];
	s2 =	stileid.u32  }
0x6e: {  	s1 =	rddreg [dreg:$0x1];
	p0 =	sne.s32 s2, $0x0  }
0x6f: {  	s3 =	rddreg [dreg:$0x2];
	[bflag:$0x3] =	sbarrier.arrive $0xFFFF;
	s2 =	simm.s32 @!p0 $0x1C01  }
0x70: {  	[timem:s3], [sflag:s2] =	dma.local @!p0 [hbm:s0], s1  }
0x71: {  	s0 =	simm.s32 @!p0 $0x1  }
0x72: {  	_ =	swait.ge @!p0 [sflag:s0], s1  }
0x73: {  	s1 =	ssub.s32 @!p0 $0x0, s1;
	[sflag:s0] =	ssyncset.done @!p0 $0x0  }
0x74: {  	[sflag:s0] =	ssyncadd.s32 @!p0 s1  }
0x75: {  	[bflag:$0x3] =	sbarrier.arrive $0xFFFF  }
0x76: {  	_ =	shalt  }

</sc_bundles>
